<compile_context>
chip_gen: v7x
topology: tpu7x:2x2x1
jax: 0.10.2.dev20260603
libtpu: 0.0.44.dev20260713+nightly
codegen_flags: <defaults>
</compile_context>

<pallas_src>
import functools

import jax
import jax.numpy as jnp
from jax import lax
from jax.experimental import pallas as pl
from jax.experimental.pallas import tpu as pltpu
from jax.experimental.pallas import tpu_sc as plsc

ALPHA = 0.2


def _gather_rows_sc(x, idx):
    B = idx.shape[0]
    D = x.shape[1]
    info = plsc.get_sparse_core_info()
    nw = info.num_cores * info.num_subcores
    b_per_w = B // nw
    mesh = plsc.VectorSubcoreMesh(core_axis_name="c", subcore_axis_name="s")

    @functools.partial(
        pl.kernel,
        mesh=mesh,
        out_type=jax.ShapeDtypeStruct((B, D), jnp.float32),
        scratch_types=[
            pltpu.VMEM((b_per_w,), jnp.int32),
            pltpu.VMEM((b_per_w, D), jnp.float32),
            pltpu.SemaphoreType.DMA,
        ],
    )
    def gather_kernel(x_hbm, idx_hbm, out_hbm, idx_v, rows_v, sem):
        wid = lax.axis_index("s") * info.num_cores + lax.axis_index("c")
        base = wid * b_per_w
        pltpu.sync_copy(idx_hbm.at[pl.ds(base, b_per_w)], idx_v)
        pltpu.async_copy(x_hbm.at[idx_v], rows_v, sem).wait()
        pltpu.sync_copy(rows_v, out_hbm.at[pl.ds(base, b_per_w)])

    return gather_kernel(x, idx)


def _gat_body(rows_ref, w_ref, a_ref, rel_ref, out_ref):
    nrel, ninf, nout = w_ref.shape
    e_cnt = rel_ref.shape[0]
    xs = rows_ref[0:e_cnt, :]
    xd = rows_ref[e_cnt : 2 * e_cnt, :]
    rel = rel_ref[...]
    a12 = a_ref[...]

    u1e = jnp.zeros((e_cnt, ninf), jnp.float32)
    u2e = jnp.zeros((e_cnt, ninf), jnp.float32)
    for r in range(nrel):
        w_r = w_ref[r]
        z = lax.dot_general(
            a12, w_r, (((1,), (1,)), ((), ())), preferred_element_type=jnp.float32
        )
        m = (rel == r).astype(jnp.float32)
        u1e = u1e + m * z[0:1, :]
        u2e = u2e + m * z[1:2, :]

    e = xs * u1e + xd * u2e
    e = jnp.where(e >= 0, e, ALPHA * e)
    emax = jnp.max(e, axis=0, keepdims=True)
    p = jnp.exp(e - emax)
    s = jnp.sum(p, axis=0, keepdims=True)
    v = (p / s) * xd

    acc = jnp.zeros((e_cnt, nout), jnp.float32)
    for r in range(nrel):
        m = (rel == r).astype(jnp.float32)
        acc = acc + jnp.dot(m * v, w_ref[r], preferred_element_type=jnp.float32)
    out_ref[...] = acc


def kernel(x, n_index, w_index_src, w_index_dst, w_index_rel, W, a_lin):
    e_cnt = w_index_src.shape[0]
    nout = W.shape[2]
    idx = jnp.concatenate([w_index_src, w_index_dst]).astype(jnp.int32)
    rows = _gather_rows_sc(x, idx)
    a12 = jnp.stack([a_lin[:nout], a_lin[nout:]], axis=0)
    rel2d = w_index_rel.reshape(e_cnt, 1)
    out2d = pl.pallas_call(
        _gat_body,
        out_shape=jax.ShapeDtypeStruct((e_cnt, nout), jnp.float32),
    )(rows, W, a12, rel2d)
    return out2d.reshape(-1)

# --- scband reference (transcript-rebuilt; emitter-appended) ---
"""Pipeline reference for scband-graph-attention-layer-81595788689803 (READ-ONLY COPY).

The authoritative reference and input builder live on the scoring server;
editing this copy changes nothing except your own understanding.
"""

import jax, jax.numpy as jnp
import numpy as np

N = 256
E = 256
NINF = 256
NOUT = 256
NREL = 11
ALPHA = 0.2


def setup_inputs(seed: int = 0) -> dict:
    key = jax.random.key(seed)
    ks = jax.random.split(key, 5)
    x = jax.random.normal(ks[0], (N, NINF), dtype=jnp.float32)
    n_index = jnp.arange(N, dtype=jnp.int32)
    w_index_src = jnp.arange(E, dtype=jnp.int32)
    w_index_dst = jax.random.randint(ks[1], (E,), 0, N, dtype=jnp.int32)
    w_index_rel = jax.random.randint(ks[2], (E,), 0, NREL, dtype=jnp.int32)
    # xavier_uniform with gain=1.414 for each relation matrix, stacked [NREL, NINF, NOUT]
    lim = 1.414 * float(np.sqrt(6.0 / (NINF + NOUT)))
    W = jax.random.uniform(ks[3], (NREL, NINF, NOUT), dtype=jnp.float32, minval=-lim, maxval=lim)
    # nn.Linear(2*NOUT, 1, bias=False) default init U(-1/sqrt(fan_in), 1/sqrt(fan_in))
    llim = 1.0 / float(np.sqrt(2 * NOUT))
    a_lin = jax.random.uniform(ks[4], (2 * NOUT,), dtype=jnp.float32, minval=-llim, maxval=llim)
    return {"x": x, "n_index": n_index, "w_index_src": w_index_src, "w_index_dst": w_index_dst, "w_index_rel": w_index_rel, "W": W, "a_lin": a_lin}


def reference(x, n_index, w_index_src, w_index_dst, w_index_rel, W, a_lin):
    # w_index dict {(src, dst): rel} flattened to parallel arrays, iterated in edge order.
    nout = W.shape[2]
    # n_index.tolist(); n_index.index(node_id)  -> position lookup (n_index is sorted)
    si = jnp.searchsorted(n_index, w_index_src)
    di = jnp.searchsorted(n_index, w_index_dst)
    Wr = jnp.take(W, w_index_rel, axis=0)                 # [E, NINF, NOUT] gather over relations
    xs = jnp.take(x, si, axis=0)                          # [E, NINF] gather src features
    xd = jnp.take(x, di, axis=0)                          # [E, NINF] gather dst (neighbour) features
    # einsum('i,ij->ij', embed, W[r]) per edge == embed[:, None] * W[r]
    nt = xd[:, :, None] * Wr                              # neighbour_temp, [E, NINF, NOUT]
    ft = xs[:, :, None] * Wr                              # feature_temp,   [E, NINF, NOUT]
    # linear(cat([ft, nt], -1)) with weight a_lin [2*NOUT]: split into the two halves
    a1 = a_lin[:nout]
    a2 = a_lin[nout:]
    e = jnp.einsum('efo,o->ef', ft, a1) + jnp.einsum('efo,o->ef', nt, a2)  # [E, NINF]
    e = jax.nn.leaky_relu(e, negative_slope=ALPHA)
    # torch: attn = softmax(cat(e_list, dim=1), dim=1) -> softmax over edges per feature row
    attn = jax.nn.softmax(e, axis=0)                      # [E, NINF]; dropout p=0.0 is identity
    # h_e = einsum('i,ij->ij', attn[:, e], nt_e) == attn[e][:, None] * nt[e]
    h = attn[:, :, None] * nt                             # [E, NINF, NOUT]
    # hi = cat(h_list, dim=1) in edge order -> [NINF, E*NOUT]
    hi = jnp.transpose(h, (1, 0, 2)).reshape(x.shape[1], -1)
    return jnp.sum(hi, axis=0)                            # [E*NOUT]

if __name__ == "__main__":
    import jax
    _d = setup_inputs()
    print(jax.jit(kernel)(*tuple(_d.values())))

</pallas_src>

<mosaic_0001>
#map = affine_map<(d0, d1) -> (0, 0)>
#map1 = affine_map<(d0, d1) -> (0)>
module attributes {stable_mosaic.version = 14 : i64} {
  func.func @gather_kernel(%arg0: i32, %arg1: i32, %arg2: memref<256x256xf32, #tpu.memory_space<hbm>>, %arg3: memref<512xi32, #tpu.memory_space<hbm>>, %arg4: memref<512x256xf32, #tpu.memory_space<hbm>>, %arg5: memref<16xi32, #tpu.memory_space<vmem>>, %arg6: memref<16x256xf32, #tpu.memory_space<vmem>>, %arg7: memref<!tpu.dma_semaphore, #tpu.memory_space<semaphore_mem>>) attributes {dimension_semantics = [#tpu.dimension_semantics<core_parallel>, #tpu.dimension_semantics<subcore_parallel>], iteration_bounds = array<i64: 2, 16>, scalar_prefetch = 0 : i64, scratch_operands = 3 : i64, tpu.core_type = #tpu.core_type<sc_vector_subcore>, window_params = [{transform_indices = #map}, {transform_indices = #map1}, {transform_indices = #map}]} {
    %mul3A = arith.constant 2 : i32
    %mul3A_0 = arith.muli %arg1, %mul3A : i32
    %add3A = arith.addi %mul3A_0, %arg0 : i32
    %mul3A_1 = arith.constant 16 : i32
    %mul3A_2 = arith.muli %add3A, %mul3A_1 : i32
    "tpu.region"() ({
      %run_scoped3A = tpu.sem_alloc : memref<!tpu.dma_semaphore, #tpu.memory_space<semaphore_mem>>
      %dma_start3A_7 = tpu.memref_slice %arg3[%mul3A_2] : memref<512xi32, #tpu.memory_space<hbm>> -> memref<16xi32, #tpu.memory_space<hbm>>
      %dma_start3A_8 = tpu.memref_slice %arg3[%mul3A_2] : memref<512xi32, #tpu.memory_space<hbm>> -> memref<16xi32, #tpu.memory_space<hbm>>
      tpu.enqueue_dma source(%dma_start3A_8 : memref<16xi32, #tpu.memory_space<hbm>>) target(%arg5 : memref<16xi32, #tpu.memory_space<vmem>>) target_semaphore(%run_scoped3A : memref<!tpu.dma_semaphore, #tpu.memory_space<semaphore_mem>>)
      %dma_wait3A_9 = tpu.memref_slice %arg3[%mul3A_2] : memref<512xi32, #tpu.memory_space<hbm>> -> memref<16xi32, #tpu.memory_space<hbm>>
      %dma_wait3A_10 = tpu.memref_slice %arg3[%mul3A_2] : memref<512xi32, #tpu.memory_space<hbm>> -> memref<16xi32, #tpu.memory_space<hbm>>
      tpu.wait_dma2 semaphore(%run_scoped3A : memref<!tpu.dma_semaphore, #tpu.memory_space<semaphore_mem>>) src(%dma_wait3A_10 : memref<16xi32, #tpu.memory_space<hbm>>) dst(%arg5 : memref<16xi32, #tpu.memory_space<vmem>>)
      tpu.yield
    }) : () -> ()
    %dma_start3A = arith.constant 0 : i32
    %dma_start3A_3 = arith.constant 0 : i32
    %dma_start3A_4 = tpu.memref_slice %arg2[%dma_start3A, %dma_start3A_3] : memref<256x256xf32, #tpu.memory_space<hbm>> -> memref<256x256xf32, #tpu.memory_space<hbm>>
    tpu.enqueue_indirect_dma source(%dma_start3A_4 : memref<256x256xf32, #tpu.memory_space<hbm>>) target(%arg6 : memref<16x256xf32, #tpu.memory_space<vmem>>) offsets(%arg5 : memref<16xi32, #tpu.memory_space<vmem>>) semaphore(%arg7 : memref<!tpu.dma_semaphore, #tpu.memory_space<semaphore_mem>>)
    %dma_wait3A = arith.constant 0 : i32
    %dma_wait3A_5 = arith.constant 0 : i32
    %dma_wait3A_6 = tpu.memref_slice %arg2[%dma_wait3A, %dma_wait3A_5] : memref<256x256xf32, #tpu.memory_space<hbm>> -> memref<256x256xf32, #tpu.memory_space<hbm>>
    tpu.wait_indirect_dma semaphore(%arg7 : memref<!tpu.dma_semaphore, #tpu.memory_space<semaphore_mem>>) src(%dma_wait3A_6 : memref<256x256xf32, #tpu.memory_space<hbm>>) dst(%arg6 : memref<16x256xf32, #tpu.memory_space<vmem>>)
    "tpu.region"() ({
      %run_scoped3A = tpu.sem_alloc : memref<!tpu.dma_semaphore, #tpu.memory_space<semaphore_mem>>
      %dma_start3A_7 = arith.constant 0 : i32
      %dma_start3A_8 = tpu.memref_slice %arg4[%mul3A_2, %dma_start3A_7] : memref<512x256xf32, #tpu.memory_space<hbm>> -> memref<16x256xf32, #tpu.memory_space<hbm>>
      %dma_start3A_9 = arith.constant 0 : i32
      %dma_start3A_10 = tpu.memref_slice %arg4[%mul3A_2, %dma_start3A_9] : memref<512x256xf32, #tpu.memory_space<hbm>> -> memref<16x256xf32, #tpu.memory_space<hbm>>
      tpu.enqueue_dma source(%arg6 : memref<16x256xf32, #tpu.memory_space<vmem>>) target(%dma_start3A_10 : memref<16x256xf32, #tpu.memory_space<hbm>>) target_semaphore(%run_scoped3A : memref<!tpu.dma_semaphore, #tpu.memory_space<semaphore_mem>>)
      %dma_wait3A_11 = arith.constant 0 : i32
      %dma_wait3A_12 = tpu.memref_slice %arg4[%mul3A_2, %dma_wait3A_11] : memref<512x256xf32, #tpu.memory_space<hbm>> -> memref<16x256xf32, #tpu.memory_space<hbm>>
      %dma_wait3A_13 = arith.constant 0 : i32
      %dma_wait3A_14 = tpu.memref_slice %arg4[%mul3A_2, %dma_wait3A_13] : memref<512x256xf32, #tpu.memory_space<hbm>> -> memref<16x256xf32, #tpu.memory_space<hbm>>
      tpu.wait_dma2 semaphore(%run_scoped3A : memref<!tpu.dma_semaphore, #tpu.memory_space<semaphore_mem>>) src(%arg6 : memref<16x256xf32, #tpu.memory_space<vmem>>) dst(%dma_wait3A_14 : memref<16x256xf32, #tpu.memory_space<hbm>>)
      tpu.yield
    }) : () -> ()
    return
  }
}

module attributes {stable_mosaic.version = 14 : i64} {
  func.func @_gat_body(%arg0: memref<512x256xf32, #tpu.memory_space<vmem>>, %arg1: memref<11x256x256xf32, #tpu.memory_space<vmem>>, %arg2: memref<2x256xf32, #tpu.memory_space<vmem>>, %arg3: memref<256x1xi32, #tpu.memory_space<vmem>>, %arg4: memref<256x256xf32, #tpu.memory_space<vmem>>) attributes {dimension_semantics = [], scalar_prefetch = 0 : i64, scratch_operands = 0 : i64, tpu.core_type = #tpu.core_type<tc>} {
    %get3A = arith.constant 0 : index
    %get3A_0 = arith.constant 0 : index
    %get3A_1 = vector.load %arg0[%get3A, %get3A_0] : memref<512x256xf32, #tpu.memory_space<vmem>>, vector<256x256xf32>
    %get3A_2 = arith.constant 256 : index
    %get3A_3 = arith.constant 0 : index
    %get3A_4 = vector.load %arg0[%get3A_2, %get3A_3] : memref<512x256xf32, #tpu.memory_space<vmem>>, vector<256x256xf32>
    %get3A_5 = arith.constant 0 : index
    %get3A_6 = arith.constant 0 : index
    %get3A_7 = vector.load %arg3[%get3A_5, %get3A_6] : memref<256x1xi32, #tpu.memory_space<vmem>>, vector<256x1xi32>
    %get3A_8 = arith.constant 0 : index
    %get3A_9 = arith.constant 0 : index
    %get3A_10 = vector.load %arg2[%get3A_8, %get3A_9] : memref<2x256xf32, #tpu.memory_space<vmem>>, vector<2x256xf32>
    %broadcast_in_dim3A = arith.constant 0.000000e+00 : f32
    %broadcast_in_dim3A_11 = vector.broadcast %broadcast_in_dim3A : f32 to vector<256x256xf32>
    %broadcast_in_dim3A_12 = arith.constant 0.000000e+00 : f32
    %broadcast_in_dim3A_13 = vector.broadcast %broadcast_in_dim3A_12 : f32 to vector<256x256xf32>
    %get3A_14 = arith.constant 0 : index
    %get3A_15 = arith.constant 0 : index
    %get3A_16 = arith.constant 0 : index
    %get3A_17 = vector.load %arg1[%get3A_14, %get3A_15, %get3A_16] : memref<11x256x256xf32, #tpu.memory_space<vmem>>, vector<1x256x256xf32>
    %get3A_18 = vector.shape_cast %get3A_17 : vector<1x256x256xf32> to vector<256x256xf32>
    %dot_general3A = arith.constant dense<0.000000e+00> : vector<2x256xf32>
    %dot_general3A_19 = tpu.matmul %get3A_10, %get3A_18, %dot_general3A {dimension_numbers = #tpu.dot_dimension_numbers<[1], [1], [0], [0], [0, 0, 1, 0], [], []>, transpose_lhs_hint = false} : vector<2x256xf32>, vector<256x256xf32>, vector<2x256xf32> -> vector<2x256xf32>
    %eq3A = arith.constant 0 : i32
    %eq3A_20 = vector.broadcast %eq3A : i32 to vector<256x1xi32>
    %eq3A_21 = arith.cmpi eq, %get3A_7, %eq3A_20 : vector<256x1xi32>
    %convert_element_type3A = arith.extui %eq3A_21 : vector<256x1xi1> to vector<256x1xi32>
    %convert_element_type3A_22 = arith.sitofp %convert_element_type3A : vector<256x1xi32> to vector<256x1xf32>
    %slice3A = vector.extract_strided_slice %dot_general3A_19 {offsets = [0, 0], sizes = [1, 256], strides = [1, 1]} : vector<2x256xf32> to vector<1x256xf32>
    %mul3A = vector.broadcast %convert_element_type3A_22 : vector<256x1xf32> to vector<256x256xf32>
    %mul3A_23 = vector.broadcast %slice3A : vector<1x256xf32> to vector<256x256xf32>
    %mul3A_24 = arith.mulf %mul3A, %mul3A_23 : vector<256x256xf32>
    %add3A = arith.addf %broadcast_in_dim3A_11, %mul3A_24 : vector<256x256xf32>
    %slice3A_25 = vector.extract_strided_slice %dot_general3A_19 {offsets = [1, 0], sizes = [1, 256], strides = [1, 1]} : vector<2x256xf32> to vector<1x256xf32>
    %mul3A_26 = vector.broadcast %convert_element_type3A_22 : vector<256x1xf32> to vector<256x256xf32>
    %mul3A_27 = vector.broadcast %slice3A_25 : vector<1x256xf32> to vector<256x256xf32>
    %mul3A_28 = arith.mulf %mul3A_26, %mul3A_27 : vector<256x256xf32>
    %add3A_29 = arith.addf %broadcast_in_dim3A_13, %mul3A_28 : vector<256x256xf32>
    %get3A_30 = arith.constant 1 : index
    %get3A_31 = arith.constant 0 : index
    %get3A_32 = arith.constant 0 : index
    %get3A_33 = vector.load %arg1[%get3A_30, %get3A_31, %get3A_32] : memref<11x256x256xf32, #tpu.memory_space<vmem>>, vector<1x256x256xf32>
    %get3A_34 = vector.shape_cast %get3A_33 : vector<1x256x256xf32> to vector<256x256xf32>
    %dot_general3A_35 = arith.constant dense<0.000000e+00> : vector<2x256xf32>
    %dot_general3A_36 = tpu.matmul %get3A_10, %get3A_34, %dot_general3A_35 {dimension_numbers = #tpu.dot_dimension_numbers<[1], [1], [0], [0], [0, 0, 1, 0], [], []>, transpose_lhs_hint = false} : vector<2x256xf32>, vector<256x256xf32>, vector<2x256xf32> -> vector<2x256xf32>
    %eq3A_37 = arith.constant 1 : i32
    %eq3A_38 = vector.broadcast %eq3A_37 : i32 to vector<256x1xi32>
    %eq3A_39 = arith.cmpi eq, %get3A_7, %eq3A_38 : vector<256x1xi32>
    %convert_element_type3A_40 = arith.extui %eq3A_39 : vector<256x1xi1> to vector<256x1xi32>
    %convert_element_type3A_41 = arith.sitofp %convert_element_type3A_40 : vector<256x1xi32> to vector<256x1xf32>
    %slice3A_42 = vector.extract_strided_slice %dot_general3A_36 {offsets = [0, 0], sizes = [1, 256], strides = [1, 1]} : vector<2x256xf32> to vector<1x256xf32>
    %mul3A_43 = vector.broadcast %convert_element_type3A_41 : vector<256x1xf32> to vector<256x256xf32>
    %mul3A_44 = vector.broadcast %slice3A_42 : vector<1x256xf32> to vector<256x256xf32>
    %mul3A_45 = arith.mulf %mul3A_43, %mul3A_44 : vector<256x256xf32>
    %add3A_46 = arith.addf %add3A, %mul3A_45 : vector<256x256xf32>
    %slice3A_47 = vector.extract_strided_slice %dot_general3A_36 {offsets = [1, 0], sizes = [1, 256], strides = [1, 1]} : vector<2x256xf32> to vector<1x256xf32>
    %mul3A_48 = vector.broadcast %convert_element_type3A_41 : vector<256x1xf32> to vector<256x256xf32>
    %mul3A_49 = vector.broadcast %slice3A_47 : vector<1x256xf32> to vector<256x256xf32>
    %mul3A_50 = arith.mulf %mul3A_48, %mul3A_49 : vector<256x256xf32>
    %add3A_51 = arith.addf %add3A_29, %mul3A_50 : vector<256x256xf32>
    %get3A_52 = arith.constant 2 : index
    %get3A_53 = arith.constant 0 : index
    %get3A_54 = arith.constant 0 : index
    %get3A_55 = vector.load %arg1[%get3A_52, %get3A_53, %get3A_54] : memref<11x256x256xf32, #tpu.memory_space<vmem>>, vector<1x256x256xf32>
    %get3A_56 = vector.shape_cast %get3A_55 : vector<1x256x256xf32> to vector<256x256xf32>
    %dot_general3A_57 = arith.constant dense<0.000000e+00> : vector<2x256xf32>
    %dot_general3A_58 = tpu.matmul %get3A_10, %get3A_56, %dot_general3A_57 {dimension_numbers = #tpu.dot_dimension_numbers<[1], [1], [0], [0], [0, 0, 1, 0], [], []>, transpose_lhs_hint = false} : vector<2x256xf32>, vector<256x256xf32>, vector<2x256xf32> -> vector<2x256xf32>
    %eq3A_59 = arith.constant 2 : i32
    %eq3A_60 = vector.broadcast %eq3A_59 : i32 to vector<256x1xi32>
    %eq3A_61 = arith.cmpi eq, %get3A_7, %eq3A_60 : vector<256x1xi32>
    %convert_element_type3A_62 = arith.extui %eq3A_61 : vector<256x1xi1> to vector<256x1xi32>
    %convert_element_type3A_63 = arith.sitofp %convert_element_type3A_62 : vector<256x1xi32> to vector<256x1xf32>
    %slice3A_64 = vector.extract_strided_slice %dot_general3A_58 {offsets = [0, 0], sizes = [1, 256], strides = [1, 1]} : vector<2x256xf32> to vector<1x256xf32>
    %mul3A_65 = vector.broadcast %convert_element_type3A_63 : vector<256x1xf32> to vector<256x256xf32>
    %mul3A_66 = vector.broadcast %slice3A_64 : vector<1x256xf32> to vector<256x256xf32>
    %mul3A_67 = arith.mulf %mul3A_65, %mul3A_66 : vector<256x256xf32>
    %add3A_68 = arith.addf %add3A_46, %mul3A_67 : vector<256x256xf32>
    %slice3A_69 = vector.extract_strided_slice %dot_general3A_58 {offsets = [1, 0], sizes = [1, 256], strides = [1, 1]} : vector<2x256xf32> to vector<1x256xf32>
    %mul3A_70 = vector.broadcast %convert_element_type3A_63 : vector<256x1xf32> to vector<256x256xf32>
    %mul3A_71 = vector.broadcast %slice3A_69 : vector<1x256xf32> to vector<256x256xf32>
    %mul3A_72 = arith.mulf %mul3A_70, %mul3A_71 : vector<256x256xf32>
    %add3A_73 = arith.addf %add3A_51, %mul3A_72 : vector<256x256xf32>
    %get3A_74 = arith.constant 3 : index
    %get3A_75 = arith.constant 0 : index
    %get3A_76 = arith.constant 0 : index
    %get3A_77 = vector.load %arg1[%get3A_74, %get3A_75, %get3A_76] : memref<11x256x256xf32, #tpu.memory_space<vmem>>, vector<1x256x256xf32>
    %get3A_78 = vector.shape_cast %get3A_77 : vector<1x256x256xf32> to vector<256x256xf32>
    %dot_general3A_79 = arith.constant dense<0.000000e+00> : vector<2x256xf32>
    %dot_general3A_80 = tpu.matmul %get3A_10, %get3A_78, %dot_general3A_79 {dimension_numbers = #tpu.dot_dimension_numbers<[1], [1], [0], [0], [0, 0, 1, 0], [], []>, transpose_lhs_hint = false} : vector<2x256xf32>, vector<256x256xf32>, vector<2x256xf32> -> vector<2x256xf32>
    %eq3A_81 = arith.constant 3 : i32
    %eq3A_82 = vector.broadcast %eq3A_81 : i32 to vector<256x1xi32>
    %eq3A_83 = arith.cmpi eq, %get3A_7, %eq3A_82 : vector<256x1xi32>
    %convert_element_type3A_84 = arith.extui %eq3A_83 : vector<256x1xi1> to vector<256x1xi32>
    %convert_element_type3A_85 = arith.sitofp %convert_element_type3A_84 : vector<256x1xi32> to vector<256x1xf32>
    %slice3A_86 = vector.extract_strided_slice %dot_general3A_80 {offsets = [0, 0], sizes = [1, 256], strides = [1, 1]} : vector<2x256xf32> to vector<1x256xf32>
    %mul3A_87 = vector.broadcast %convert_element_type3A_85 : vector<256x1xf32> to vector<256x256xf32>
    %mul3A_88 = vector.broadcast %slice3A_86 : vector<1x256xf32> to vector<256x256xf32>
    %mul3A_89 = arith.mulf %mul3A_87, %mul3A_88 : vector<256x256xf32>
    %add3A_90 = arith.addf %add3A_68, %mul3A_89 : vector<256x256xf32>
    %slice3A_91 = vector.extract_strided_slice %dot_general3A_80 {offsets = [1, 0], sizes = [1, 256], strides = [1, 1]} : vector<2x256xf32> to vector<1x256xf32>
    %mul3A_92 = vector.broadcast %convert_element_type3A_85 : vector<256x1xf32> to vector<256x256xf32>
    %mul3A_93 = vector.broadcast %slice3A_91 : vector<1x256xf32> to vector<256x256xf32>
    %mul3A_94 = arith.mulf %mul3A_92, %mul3A_93 : vector<256x256xf32>
    %add3A_95 = arith.addf %add3A_73, %mul3A_94 : vector<256x256xf32>
    %get3A_96 = arith.constant 4 : index
    %get3A_97 = arith.constant 0 : index
    %get3A_98 = arith.constant 0 : index
    %get3A_99 = vector.load %arg1[%get3A_96, %get3A_97, %get3A_98] : memref<11x256x256xf32, #tpu.memory_space<vmem>>, vector<1x256x256xf32>
    %get3A_100 = vector.shape_cast %get3A_99 : vector<1x256x256xf32> to vector<256x256xf32>
    %dot_general3A_101 = arith.constant dense<0.000000e+00> : vector<2x256xf32>
    %dot_general3A_102 = tpu.matmul %get3A_10, %get3A_100, %dot_general3A_101 {dimension_numbers = #tpu.dot_dimension_numbers<[1], [1], [0], [0], [0, 0, 1, 0], [], []>, transpose_lhs_hint = false} : vector<2x256xf32>, vector<256x256xf32>, vector<2x256xf32> -> vector<2x256xf32>
    %eq3A_103 = arith.constant 4 : i32
    %eq3A_104 = vector.broadcast %eq3A_103 : i32 to vector<256x1xi32>
    %eq3A_105 = arith.cmpi eq, %get3A_7, %eq3A_104 : vector<256x1xi32>
    %convert_element_type3A_106 = arith.extui %eq3A_105 : vector<256x1xi1> to vector<256x1xi32>
    %convert_element_type3A_107 = arith.sitofp %convert_element_type3A_106 : vector<256x1xi32> to vector<256x1xf32>
    %slice3A_108 = vector.extract_strided_slice %dot_general3A_102 {offsets = [0, 0], sizes = [1, 256], strides = [1, 1]} : vector<2x256xf32> to vector<1x256xf32>
    %mul3A_109 = vector.broadcast %convert_element_type3A_107 : vector<256x1xf32> to vector<256x256xf32>
    %mul3A_110 = vector.broadcast %slice3A_108 : vector<1x256xf32> to vector<256x256xf32>
    %mul3A_111 = arith.mulf %mul3A_109, %mul3A_110 : vector<256x256xf32>
    %add3A_112 = arith.addf %add3A_90, %mul3A_111 : vector<256x256xf32>
    %slice3A_113 = vector.extract_strided_slice %dot_general3A_102 {offsets = [1, 0], sizes = [1, 256], strides = [1, 1]} : vector<2x256xf32> to vector<1x256xf32>
    %mul3A_114 = vector.broadcast %convert_element_type3A_107 : vector<256x1xf32> to vector<256x256xf32>
    %mul3A_115 = vector.broadcast %slice3A_113 : vector<1x256xf32> to vector<256x256xf32>
    %mul3A_116 = arith.mulf %mul3A_114, %mul3A_115 : vector<256x256xf32>
    %add3A_117 = arith.addf %add3A_95, %mul3A_116 : vector<256x256xf32>
    %get3A_118 = arith.constant 5 : index
    %get3A_119 = arith.constant 0 : index
    %get3A_120 = arith.constant 0 : index
    %get3A_121 = vector.load %arg1[%get3A_118, %get3A_119, %get3A_120] : memref<11x256x256xf32, #tpu.memory_space<vmem>>, vector<1x256x256xf32>
    %get3A_122 = vector.shape_cast %get3A_121 : vector<1x256x256xf32> to vector<256x256xf32>
    %dot_general3A_123 = arith.constant dense<0.000000e+00> : vector<2x256xf32>
    %dot_general3A_124 = tpu.matmul %get3A_10, %get3A_122, %dot_general3A_123 {dimension_numbers = #tpu.dot_dimension_numbers<[1], [1], [0], [0], [0, 0, 1, 0], [], []>, transpose_lhs_hint = false} : vector<2x256xf32>, vector<256x256xf32>, vector<2x256xf32> -> vector<2x256xf32>
    %eq3A_125 = arith.constant 5 : i32
    %eq3A_126 = vector.broadcast %eq3A_125 : i32 to vector<256x1xi32>
    %eq3A_127 = arith.cmpi eq, %get3A_7, %eq3A_126 : vector<256x1xi32>
    %convert_element_type3A_128 = arith.extui %eq3A_127 : vector<256x1xi1> to vector<256x1xi32>
    %convert_element_type3A_129 = arith.sitofp %convert_element_type3A_128 : vector<256x1xi32> to vector<256x1xf32>
    %slice3A_130 = vector.extract_strided_slice %dot_general3A_124 {offsets = [0, 0], sizes = [1, 256], strides = [1, 1]} : vector<2x256xf32> to vector<1x256xf32>
    %mul3A_131 = vector.broadcast %convert_element_type3A_129 : vector<256x1xf32> to vector<256x256xf32>
    %mul3A_132 = vector.broadcast %slice3A_130 : vector<1x256xf32> to vector<256x256xf32>
    %mul3A_133 = arith.mulf %mul3A_131, %mul3A_132 : vector<256x256xf32>
    %add3A_134 = arith.addf %add3A_112, %mul3A_133 : vector<256x256xf32>
    %slice3A_135 = vector.extract_strided_slice %dot_general3A_124 {offsets = [1, 0], sizes = [1, 256], strides = [1, 1]} : vector<2x256xf32> to vector<1x256xf32>
    %mul3A_136 = vector.broadcast %convert_element_type3A_129 : vector<256x1xf32> to vector<256x256xf32>
    %mul3A_137 = vector.broadcast %slice3A_135 : vector<1x256xf32> to vector<256x256xf32>
    %mul3A_138 = arith.mulf %mul3A_136, %mul3A_137 : vector<256x256xf32>
    %add3A_139 = arith.addf %add3A_117, %mul3A_138 : vector<256x256xf32>
    %get3A_140 = arith.constant 6 : index
    %get3A_141 = arith.constant 0 : index
    %get3A_142 = arith.constant 0 : index
    %get3A_143 = vector.load %arg1[%get3A_140, %get3A_141, %get3A_142] : memref<11x256x256xf32, #tpu.memory_space<vmem>>, vector<1x256x256xf32>
    %get3A_144 = vector.shape_cast %get3A_143 : vector<1x256x256xf32> to vector<256x256xf32>
    %dot_general3A_145 = arith.constant dense<0.000000e+00> : vector<2x256xf32>
    %dot_general3A_146 = tpu.matmul %get3A_10, %get3A_144, %dot_general3A_145 {dimension_numbers = #tpu.dot_dimension_numbers<[1], [1], [0], [0], [0, 0, 1, 0], [], []>, transpose_lhs_hint = false} : vector<2x256xf32>, vector<256x256xf32>, vector<2x256xf32> -> vector<2x256xf32>
    %eq3A_147 = arith.constant 6 : i32
    %eq3A_148 = vector.broadcast %eq3A_147 : i32 to vector<256x1xi32>
    %eq3A_149 = arith.cmpi eq, %get3A_7, %eq3A_148 : vector<256x1xi32>
    %convert_element_type3A_150 = arith.extui %eq3A_149 : vector<256x1xi1> to vector<256x1xi32>
    %convert_element_type3A_151 = arith.sitofp %convert_element_type3A_150 : vector<256x1xi32> to vector<256x1xf32>
    %slice3A_152 = vector.extract_strided_slice %dot_general3A_146 {offsets = [0, 0], sizes = [1, 256], strides = [1, 1]} : vector<2x256xf32> to vector<1x256xf32>
    %mul3A_153 = vector.broadcast %convert_element_type3A_151 : vector<256x1xf32> to vector<256x256xf32>
    %mul3A_154 = vector.broadcast %slice3A_152 : vector<1x256xf32> to vector<256x256xf32>
    %mul3A_155 = arith.mulf %mul3A_153, %mul3A_154 : vector<256x256xf32>
    %add3A_156 = arith.addf %add3A_134, %mul3A_155 : vector<256x256xf32>
    %slice3A_157 = vector.extract_strided_slice %dot_general3A_146 {offsets = [1, 0], sizes = [1, 256], strides = [1, 1]} : vector<2x256xf32> to vector<1x256xf32>
    %mul3A_158 = vector.broadcast %convert_element_type3A_151 : vector<256x1xf32> to vector<256x256xf32>
    %mul3A_159 = vector.broadcast %slice3A_157 : vector<1x256xf32> to vector<256x256xf32>
    %mul3A_160 = arith.mulf %mul3A_158, %mul3A_159 : vector<256x256xf32>
    %add3A_161 = arith.addf %add3A_139, %mul3A_160 : vector<256x256xf32>
    %get3A_162 = arith.constant 7 : index
    %get3A_163 = arith.constant 0 : index
    %get3A_164 = arith.constant 0 : index
    %get3A_165 = vector.load %arg1[%get3A_162, %get3A_163, %get3A_164] : memref<11x256x256xf32, #tpu.memory_space<vmem>>, vector<1x256x256xf32>
    %get3A_166 = vector.shape_cast %get3A_165 : vector<1x256x256xf32> to vector<256x256xf32>
    %dot_general3A_167 = arith.constant dense<0.000000e+00> : vector<2x256xf32>
    %dot_general3A_168 = tpu.matmul %get3A_10, %get3A_166, %dot_general3A_167 {dimension_numbers = #tpu.dot_dimension_numbers<[1], [1], [0], [0], [0, 0, 1, 0], [], []>, transpose_lhs_hint = false} : vector<2x256xf32>, vector<256x256xf32>, vector<2x256xf32> -> vector<2x256xf32>
    %eq3A_169 = arith.constant 7 : i32
    %eq3A_170 = vector.broadcast %eq3A_169 : i32 to vector<256x1xi32>
    %eq3A_171 = arith.cmpi eq, %get3A_7, %eq3A_170 : vector<256x1xi32>
    %convert_element_type3A_172 = arith.extui %eq3A_171 : vector<256x1xi1> to vector<256x1xi32>
    %convert_element_type3A_173 = arith.sitofp %convert_element_type3A_172 : vector<256x1xi32> to vector<256x1xf32>
    %slice3A_174 = vector.extract_strided_slice %dot_general3A_168 {offsets = [0, 0], sizes = [1, 256], strides = [1, 1]} : vector<2x256xf32> to vector<1x256xf32>
    %mul3A_175 = vector.broadcast %convert_element_type3A_173 : vector<256x1xf32> to vector<256x256xf32>
    %mul3A_176 = vector.broadcast %slice3A_174 : vector<1x256xf32> to vector<256x256xf32>
    %mul3A_177 = arith.mulf %mul3A_175, %mul3A_176 : vector<256x256xf32>
    %add3A_178 = arith.addf %add3A_156, %mul3A_177 : vector<256x256xf32>
    %slice3A_179 = vector.extract_strided_slice %dot_general3A_168 {offsets = [1, 0], sizes = [1, 256], strides = [1, 1]} : vector<2x256xf32> to vector<1x256xf32>
    %mul3A_180 = vector.broadcast %convert_element_type3A_173 : vector<256x1xf32> to vector<256x256xf32>
    %mul3A_181 = vector.broadcast %slice3A_179 : vector<1x256xf32> to vector<256x256xf32>
    %mul3A_182 = arith.mulf %mul3A_180, %mul3A_181 : vector<256x256xf32>
    %add3A_183 = arith.addf %add3A_161, %mul3A_182 : vector<256x256xf32>
    %get3A_184 = arith.constant 8 : index
    %get3A_185 = arith.constant 0 : index
    %get3A_186 = arith.constant 0 : index
    %get3A_187 = vector.load %arg1[%get3A_184, %get3A_185, %get3A_186] : memref<11x256x256xf32, #tpu.memory_space<vmem>>, vector<1x256x256xf32>
    %get3A_188 = vector.shape_cast %get3A_187 : vector<1x256x256xf32> to vector<256x256xf32>
    %dot_general3A_189 = arith.constant dense<0.000000e+00> : vector<2x256xf32>
    %dot_general3A_190 = tpu.matmul %get3A_10, %get3A_188, %dot_general3A_189 {dimension_numbers = #tpu.dot_dimension_numbers<[1], [1], [0], [0], [0, 0, 1, 0], [], []>, transpose_lhs_hint = false} : vector<2x256xf32>, vector<256x256xf32>, vector<2x256xf32> -> vector<2x256xf32>
    %eq3A_191 = arith.constant 8 : i32
    %eq3A_192 = vector.broadcast %eq3A_191 : i32 to vector<256x1xi32>
    %eq3A_193 = arith.cmpi eq, %get3A_7, %eq3A_192 : vector<256x1xi32>
    %convert_element_type3A_194 = arith.extui %eq3A_193 : vector<256x1xi1> to vector<256x1xi32>
    %convert_element_type3A_195 = arith.sitofp %convert_element_type3A_194 : vector<256x1xi32> to vector<256x1xf32>
    %slice3A_196 = vector.extract_strided_slice %dot_general3A_190 {offsets = [0, 0], sizes = [1, 256], strides = [1, 1]} : vector<2x256xf32> to vector<1x256xf32>
    %mul3A_197 = vector.broadcast %convert_element_type3A_195 : vector<256x1xf32> to vector<256x256xf32>
    %mul3A_198 = vector.broadcast %slice3A_196 : vector<1x256xf32> to vector<256x256xf32>
    %mul3A_199 = arith.mulf %mul3A_197, %mul3A_198 : vector<256x256xf32>
    %add3A_200 = arith.addf %add3A_178, %mul3A_199 : vector<256x256xf32>
    %slice3A_201 = vector.extract_strided_slice %dot_general3A_190 {offsets = [1, 0], sizes = [1, 256], strides = [1, 1]} : vector<2x256xf32> to vector<1x256xf32>
    %mul3A_202 = vector.broadcast %convert_element_type3A_195 : vector<256x1xf32> to vector<256x256xf32>
    %mul3A_203 = vector.broadcast %slice3A_201 : vector<1x256xf32> to vector<256x256xf32>
    %mul3A_204 = arith.mulf %mul3A_202, %mul3A_203 : vector<256x256xf32>
    %add3A_205 = arith.addf %add3A_183, %mul3A_204 : vector<256x256xf32>
    %get3A_206 = arith.constant 9 : index
    %get3A_207 = arith.constant 0 : index
    %get3A_208 = arith.constant 0 : index
    %get3A_209 = vector.load %arg1[%get3A_206, %get3A_207, %get3A_208] : memref<11x256x256xf32, #tpu.memory_space<vmem>>, vector<1x256x256xf32>
    %get3A_210 = vector.shape_cast %get3A_209 : vector<1x256x256xf32> to vector<256x256xf32>
    %dot_general3A_211 = arith.constant dense<0.000000e+00> : vector<2x256xf32>
    %dot_general3A_212 = tpu.matmul %get3A_10, %get3A_210, %dot_general3A_211 {dimension_numbers = #tpu.dot_dimension_numbers<[1], [1], [0], [0], [0, 0, 1, 0], [], []>, transpose_lhs_hint = false} : vector<2x256xf32>, vector<256x256xf32>, vector<2x256xf32> -> vector<2x256xf32>
    %eq3A_213 = arith.constant 9 : i32
    %eq3A_214 = vector.broadcast %eq3A_213 : i32 to vector<256x1xi32>
    %eq3A_215 = arith.cmpi eq, %get3A_7, %eq3A_214 : vector<256x1xi32>
    %convert_element_type3A_216 = arith.extui %eq3A_215 : vector<256x1xi1> to vector<256x1xi32>
    %convert_element_type3A_217 = arith.sitofp %convert_element_type3A_216 : vector<256x1xi32> to vector<256x1xf32>
    %slice3A_218 = vector.extract_strided_slice %dot_general3A_212 {offsets = [0, 0], sizes = [1, 256], strides = [1, 1]} : vector<2x256xf32> to vector<1x256xf32>
    %mul3A_219 = vector.broadcast %convert_element_type3A_217 : vector<256x1xf32> to vector<256x256xf32>
    %mul3A_220 = vector.broadcast %slice3A_218 : vector<1x256xf32> to vector<256x256xf32>
    %mul3A_221 = arith.mulf %mul3A_219, %mul3A_220 : vector<256x256xf32>
    %add3A_222 = arith.addf %add3A_200, %mul3A_221 : vector<256x256xf32>
    %slice3A_223 = vector.extract_strided_slice %dot_general3A_212 {offsets = [1, 0], sizes = [1, 256], strides = [1, 1]} : vector<2x256xf32> to vector<1x256xf32>
    %mul3A_224 = vector.broadcast %convert_element_type3A_217 : vector<256x1xf32> to vector<256x256xf32>
    %mul3A_225 = vector.broadcast %slice3A_223 : vector<1x256xf32> to vector<256x256xf32>
    %mul3A_226 = arith.mulf %mul3A_224, %mul3A_225 : vector<256x256xf32>
    %add3A_227 = arith.addf %add3A_205, %mul3A_226 : vector<256x256xf32>
    %get3A_228 = arith.constant 10 : index
    %get3A_229 = arith.constant 0 : index
    %get3A_230 = arith.constant 0 : index
    %get3A_231 = vector.load %arg1[%get3A_228, %get3A_229, %get3A_230] : memref<11x256x256xf32, #tpu.memory_space<vmem>>, vector<1x256x256xf32>
    %get3A_232 = vector.shape_cast %get3A_231 : vector<1x256x256xf32> to vector<256x256xf32>
    %dot_general3A_233 = arith.constant dense<0.000000e+00> : vector<2x256xf32>
    %dot_general3A_234 = tpu.matmul %get3A_10, %get3A_232, %dot_general3A_233 {dimension_numbers = #tpu.dot_dimension_numbers<[1], [1], [0], [0], [0, 0, 1, 0], [], []>, transpose_lhs_hint = false} : vector<2x256xf32>, vector<256x256xf32>, vector<2x256xf32> -> vector<2x256xf32>
    %eq3A_235 = arith.constant 10 : i32
    %eq3A_236 = vector.broadcast %eq3A_235 : i32 to vector<256x1xi32>
    %eq3A_237 = arith.cmpi eq, %get3A_7, %eq3A_236 : vector<256x1xi32>
    %convert_element_type3A_238 = arith.extui %eq3A_237 : vector<256x1xi1> to vector<256x1xi32>
    %convert_element_type3A_239 = arith.sitofp %convert_element_type3A_238 : vector<256x1xi32> to vector<256x1xf32>
    %slice3A_240 = vector.extract_strided_slice %dot_general3A_234 {offsets = [0, 0], sizes = [1, 256], strides = [1, 1]} : vector<2x256xf32> to vector<1x256xf32>
    %mul3A_241 = vector.broadcast %convert_element_type3A_239 : vector<256x1xf32> to vector<256x256xf32>
    %mul3A_242 = vector.broadcast %slice3A_240 : vector<1x256xf32> to vector<256x256xf32>
    %mul3A_243 = arith.mulf %mul3A_241, %mul3A_242 : vector<256x256xf32>
    %add3A_244 = arith.addf %add3A_222, %mul3A_243 : vector<256x256xf32>
    %slice3A_245 = vector.extract_strided_slice %dot_general3A_234 {offsets = [1, 0], sizes = [1, 256], strides = [1, 1]} : vector<2x256xf32> to vector<1x256xf32>
    %mul3A_246 = vector.broadcast %convert_element_type3A_239 : vector<256x1xf32> to vector<256x256xf32>
    %mul3A_247 = vector.broadcast %slice3A_245 : vector<1x256xf32> to vector<256x256xf32>
    %mul3A_248 = arith.mulf %mul3A_246, %mul3A_247 : vector<256x256xf32>
    %add3A_249 = arith.addf %add3A_227, %mul3A_248 : vector<256x256xf32>
    %mul3A_250 = arith.mulf %get3A_1, %add3A_244 : vector<256x256xf32>
    %mul3A_251 = arith.mulf %get3A_4, %add3A_249 : vector<256x256xf32>
    %add3A_252 = arith.addf %mul3A_250, %mul3A_251 : vector<256x256xf32>
    %ge3A = arith.constant 0.000000e+00 : f32
    %ge3A_253 = vector.broadcast %ge3A : f32 to vector<256x256xf32>
    %ge3A_254 = arith.cmpf oge, %add3A_252, %ge3A_253 : vector<256x256xf32>
    %mul3A_255 = arith.constant 2.000000e-01 : f32
    %mul3A_256 = vector.broadcast %mul3A_255 : f32 to vector<256x256xf32>
    %mul3A_257 = arith.mulf %mul3A_256, %add3A_252 : vector<256x256xf32>
    %select_n3A = arith.select %ge3A_254, %add3A_252, %mul3A_257 : vector<256x256xi1>, vector<256x256xf32>
    %reduce_max3A = arith.constant dense<0xFF800000> : vector<256xf32>
    %reduce_max3A_258 = vector.multi_reduction <maximumf>, %select_n3A, %reduce_max3A [0] : vector<256x256xf32> to vector<256xf32>
    %broadcast_in_dim3A_259 = vector.shape_cast %reduce_max3A_258 : vector<256xf32> to vector<1x256xf32>
    %sub3A = vector.broadcast %broadcast_in_dim3A_259 : vector<1x256xf32> to vector<256x256xf32>
    %sub3A_260 = arith.subf %select_n3A, %sub3A : vector<256x256xf32>
    %exp3A = math.exp %sub3A_260 : vector<256x256xf32>
    %reduce_sum3A = arith.constant dense<0.000000e+00> : vector<256xf32>
    %reduce_sum3A_261 = vector.multi_reduction <add>, %exp3A, %reduce_sum3A [0] : vector<256x256xf32> to vector<256xf32>
    %broadcast_in_dim3A_262 = vector.shape_cast %reduce_sum3A_261 : vector<256xf32> to vector<1x256xf32>
    %div3A = vector.broadcast %broadcast_in_dim3A_262 : vector<1x256xf32> to vector<256x256xf32>
    %div3A_263 = arith.divf %exp3A, %div3A : vector<256x256xf32>
    %mul3A_264 = arith.mulf %div3A_263, %get3A_4 : vector<256x256xf32>
    %broadcast_in_dim3A_265 = arith.constant 0.000000e+00 : f32
    %broadcast_in_dim3A_266 = vector.broadcast %broadcast_in_dim3A_265 : f32 to vector<256x256xf32>
    %eq3A_267 = arith.constant 0 : i32
    %eq3A_268 = vector.broadcast %eq3A_267 : i32 to vector<256x1xi32>
    %eq3A_269 = arith.cmpi eq, %get3A_7, %eq3A_268 : vector<256x1xi32>
    %convert_element_type3A_270 = arith.extui %eq3A_269 : vector<256x1xi1> to vector<256x1xi32>
    %convert_element_type3A_271 = arith.sitofp %convert_element_type3A_270 : vector<256x1xi32> to vector<256x1xf32>
    %mul3A_272 = vector.broadcast %convert_element_type3A_271 : vector<256x1xf32> to vector<256x256xf32>
    %mul3A_273 = arith.mulf %mul3A_272, %mul3A_264 : vector<256x256xf32>
    %get3A_274 = arith.constant 0 : index
    %get3A_275 = arith.constant 0 : index
    %get3A_276 = arith.constant 0 : index
    %get3A_277 = vector.load %arg1[%get3A_274, %get3A_275, %get3A_276] : memref<11x256x256xf32, #tpu.memory_space<vmem>>, vector<1x256x256xf32>
    %get3A_278 = vector.shape_cast %get3A_277 : vector<1x256x256xf32> to vector<256x256xf32>
    %dot_general3A_279 = arith.constant dense<0.000000e+00> : vector<256x256xf32>
    %dot_general3A_280 = tpu.matmul %mul3A_273, %get3A_278, %dot_general3A_279 {dimension_numbers = #tpu.dot_dimension_numbers<[1], [0], [0], [1], [0, 0, 1, 1], [], []>, transpose_lhs_hint = false} : vector<256x256xf32>, vector<256x256xf32>, vector<256x256xf32> -> vector<256x256xf32>
    %add3A_281 = arith.addf %broadcast_in_dim3A_266, %dot_general3A_280 : vector<256x256xf32>
    %eq3A_282 = arith.constant 1 : i32
    %eq3A_283 = vector.broadcast %eq3A_282 : i32 to vector<256x1xi32>
    %eq3A_284 = arith.cmpi eq, %get3A_7, %eq3A_283 : vector<256x1xi32>
    %convert_element_type3A_285 = arith.extui %eq3A_284 : vector<256x1xi1> to vector<256x1xi32>
    %convert_element_type3A_286 = arith.sitofp %convert_element_type3A_285 : vector<256x1xi32> to vector<256x1xf32>
    %mul3A_287 = vector.broadcast %convert_element_type3A_286 : vector<256x1xf32> to vector<256x256xf32>
    %mul3A_288 = arith.mulf %mul3A_287, %mul3A_264 : vector<256x256xf32>
    %get3A_289 = arith.constant 1 : index
    %get3A_290 = arith.constant 0 : index
    %get3A_291 = arith.constant 0 : index
    %get3A_292 = vector.load %arg1[%get3A_289, %get3A_290, %get3A_291] : memref<11x256x256xf32, #tpu.memory_space<vmem>>, vector<1x256x256xf32>
    %get3A_293 = vector.shape_cast %get3A_292 : vector<1x256x256xf32> to vector<256x256xf32>
    %dot_general3A_294 = arith.constant dense<0.000000e+00> : vector<256x256xf32>
    %dot_general3A_295 = tpu.matmul %mul3A_288, %get3A_293, %dot_general3A_294 {dimension_numbers = #tpu.dot_dimension_numbers<[1], [0], [0], [1], [0, 0, 1, 1], [], []>, transpose_lhs_hint = false} : vector<256x256xf32>, vector<256x256xf32>, vector<256x256xf32> -> vector<256x256xf32>
    %add3A_296 = arith.addf %add3A_281, %dot_general3A_295 : vector<256x256xf32>
    %eq3A_297 = arith.constant 2 : i32
    %eq3A_298 = vector.broadcast %eq3A_297 : i32 to vector<256x1xi32>
    %eq3A_299 = arith.cmpi eq, %get3A_7, %eq3A_298 : vector<256x1xi32>
    %convert_element_type3A_300 = arith.extui %eq3A_299 : vector<256x1xi1> to vector<256x1xi32>
    %convert_element_type3A_301 = arith.sitofp %convert_element_type3A_300 : vector<256x1xi32> to vector<256x1xf32>
    %mul3A_302 = vector.broadcast %convert_element_type3A_301 : vector<256x1xf32> to vector<256x256xf32>
    %mul3A_303 = arith.mulf %mul3A_302, %mul3A_264 : vector<256x256xf32>
    %get3A_304 = arith.constant 2 : index
    %get3A_305 = arith.constant 0 : index
    %get3A_306 = arith.constant 0 : index
    %get3A_307 = vector.load %arg1[%get3A_304, %get3A_305, %get3A_306] : memref<11x256x256xf32, #tpu.memory_space<vmem>>, vector<1x256x256xf32>
    %get3A_308 = vector.shape_cast %get3A_307 : vector<1x256x256xf32> to vector<256x256xf32>
    %dot_general3A_309 = arith.constant dense<0.000000e+00> : vector<256x256xf32>
    %dot_general3A_310 = tpu.matmul %mul3A_303, %get3A_308, %dot_general3A_309 {dimension_numbers = #tpu.dot_dimension_numbers<[1], [0], [0], [1], [0, 0, 1, 1], [], []>, transpose_lhs_hint = false} : vector<256x256xf32>, vector<256x256xf32>, vector<256x256xf32> -> vector<256x256xf32>
    %add3A_311 = arith.addf %add3A_296, %dot_general3A_310 : vector<256x256xf32>
    %eq3A_312 = arith.constant 3 : i32
    %eq3A_313 = vector.broadcast %eq3A_312 : i32 to vector<256x1xi32>
    %eq3A_314 = arith.cmpi eq, %get3A_7, %eq3A_313 : vector<256x1xi32>
    %convert_element_type3A_315 = arith.extui %eq3A_314 : vector<256x1xi1> to vector<256x1xi32>
    %convert_element_type3A_316 = arith.sitofp %convert_element_type3A_315 : vector<256x1xi32> to vector<256x1xf32>
    %mul3A_317 = vector.broadcast %convert_element_type3A_316 : vector<256x1xf32> to vector<256x256xf32>
    %mul3A_318 = arith.mulf %mul3A_317, %mul3A_264 : vector<256x256xf32>
    %get3A_319 = arith.constant 3 : index
    %get3A_320 = arith.constant 0 : index
    %get3A_321 = arith.constant 0 : index
    %get3A_322 = vector.load %arg1[%get3A_319, %get3A_320, %get3A_321] : memref<11x256x256xf32, #tpu.memory_space<vmem>>, vector<1x256x256xf32>
    %get3A_323 = vector.shape_cast %get3A_322 : vector<1x256x256xf32> to vector<256x256xf32>
    %dot_general3A_324 = arith.constant dense<0.000000e+00> : vector<256x256xf32>
    %dot_general3A_325 = tpu.matmul %mul3A_318, %get3A_323, %dot_general3A_324 {dimension_numbers = #tpu.dot_dimension_numbers<[1], [0], [0], [1], [0, 0, 1, 1], [], []>, transpose_lhs_hint = false} : vector<256x256xf32>, vector<256x256xf32>, vector<256x256xf32> -> vector<256x256xf32>
    %add3A_326 = arith.addf %add3A_311, %dot_general3A_325 : vector<256x256xf32>
    %eq3A_327 = arith.constant 4 : i32
    %eq3A_328 = vector.broadcast %eq3A_327 : i32 to vector<256x1xi32>
    %eq3A_329 = arith.cmpi eq, %get3A_7, %eq3A_328 : vector<256x1xi32>
    %convert_element_type3A_330 = arith.extui %eq3A_329 : vector<256x1xi1> to vector<256x1xi32>
    %convert_element_type3A_331 = arith.sitofp %convert_element_type3A_330 : vector<256x1xi32> to vector<256x1xf32>
    %mul3A_332 = vector.broadcast %convert_element_type3A_331 : vector<256x1xf32> to vector<256x256xf32>
    %mul3A_333 = arith.mulf %mul3A_332, %mul3A_264 : vector<256x256xf32>
    %get3A_334 = arith.constant 4 : index
    %get3A_335 = arith.constant 0 : index
    %get3A_336 = arith.constant 0 : index
    %get3A_337 = vector.load %arg1[%get3A_334, %get3A_335, %get3A_336] : memref<11x256x256xf32, #tpu.memory_space<vmem>>, vector<1x256x256xf32>
    %get3A_338 = vector.shape_cast %get3A_337 : vector<1x256x256xf32> to vector<256x256xf32>
    %dot_general3A_339 = arith.constant dense<0.000000e+00> : vector<256x256xf32>
    %dot_general3A_340 = tpu.matmul %mul3A_333, %get3A_338, %dot_general3A_339 {dimension_numbers = #tpu.dot_dimension_numbers<[1], [0], [0], [1], [0, 0, 1, 1], [], []>, transpose_lhs_hint = false} : vector<256x256xf32>, vector<256x256xf32>, vector<256x256xf32> -> vector<256x256xf32>
    %add3A_341 = arith.addf %add3A_326, %dot_general3A_340 : vector<256x256xf32>
    %eq3A_342 = arith.constant 5 : i32
    %eq3A_343 = vector.broadcast %eq3A_342 : i32 to vector<256x1xi32>
    %eq3A_344 = arith.cmpi eq, %get3A_7, %eq3A_343 : vector<256x1xi32>
    %convert_element_type3A_345 = arith.extui %eq3A_344 : vector<256x1xi1> to vector<256x1xi32>
    %convert_element_type3A_346 = arith.sitofp %convert_element_type3A_345 : vector<256x1xi32> to vector<256x1xf32>
    %mul3A_347 = vector.broadcast %convert_element_type3A_346 : vector<256x1xf32> to vector<256x256xf32>
    %mul3A_348 = arith.mulf %mul3A_347, %mul3A_264 : vector<256x256xf32>
    %get3A_349 = arith.constant 5 : index
    %get3A_350 = arith.constant 0 : index
    %get3A_351 = arith.constant 0 : index
    %get3A_352 = vector.load %arg1[%get3A_349, %get3A_350, %get3A_351] : memref<11x256x256xf32, #tpu.memory_space<vmem>>, vector<1x256x256xf32>
    %get3A_353 = vector.shape_cast %get3A_352 : vector<1x256x256xf32> to vector<256x256xf32>
    %dot_general3A_354 = arith.constant dense<0.000000e+00> : vector<256x256xf32>
    %dot_general3A_355 = tpu.matmul %mul3A_348, %get3A_353, %dot_general3A_354 {dimension_numbers = #tpu.dot_dimension_numbers<[1], [0], [0], [1], [0, 0, 1, 1], [], []>, transpose_lhs_hint = false} : vector<256x256xf32>, vector<256x256xf32>, vector<256x256xf32> -> vector<256x256xf32>
    %add3A_356 = arith.addf %add3A_341, %dot_general3A_355 : vector<256x256xf32>
    %eq3A_357 = arith.constant 6 : i32
    %eq3A_358 = vector.broadcast %eq3A_357 : i32 to vector<256x1xi32>
    %eq3A_359 = arith.cmpi eq, %get3A_7, %eq3A_358 : vector<256x1xi32>
    %convert_element_type3A_360 = arith.extui %eq3A_359 : vector<256x1xi1> to vector<256x1xi32>
    %convert_element_type3A_361 = arith.sitofp %convert_element_type3A_360 : vector<256x1xi32> to vector<256x1xf32>
    %mul3A_362 = vector.broadcast %convert_element_type3A_361 : vector<256x1xf32> to vector<256x256xf32>
    %mul3A_363 = arith.mulf %mul3A_362, %mul3A_264 : vector<256x256xf32>
    %get3A_364 = arith.constant 6 : index
    %get3A_365 = arith.constant 0 : index
    %get3A_366 = arith.constant 0 : index
    %get3A_367 = vector.load %arg1[%get3A_364, %get3A_365, %get3A_366] : memref<11x256x256xf32, #tpu.memory_space<vmem>>, vector<1x256x256xf32>
    %get3A_368 = vector.shape_cast %get3A_367 : vector<1x256x256xf32> to vector<256x256xf32>
    %dot_general3A_369 = arith.constant dense<0.000000e+00> : vector<256x256xf32>
    %dot_general3A_370 = tpu.matmul %mul3A_363, %get3A_368, %dot_general3A_369 {dimension_numbers = #tpu.dot_dimension_numbers<[1], [0], [0], [1], [0, 0, 1, 1], [], []>, transpose_lhs_hint = false} : vector<256x256xf32>, vector<256x256xf32>, vector<256x256xf32> -> vector<256x256xf32>
    %add3A_371 = arith.addf %add3A_356, %dot_general3A_370 : vector<256x256xf32>
    %eq3A_372 = arith.constant 7 : i32
    %eq3A_373 = vector.broadcast %eq3A_372 : i32 to vector<256x1xi32>
    %eq3A_374 = arith.cmpi eq, %get3A_7, %eq3A_373 : vector<256x1xi32>
    %convert_element_type3A_375 = arith.extui %eq3A_374 : vector<256x1xi1> to vector<256x1xi32>
    %convert_element_type3A_376 = arith.sitofp %convert_element_type3A_375 : vector<256x1xi32> to vector<256x1xf32>
    %mul3A_377 = vector.broadcast %convert_element_type3A_376 : vector<256x1xf32> to vector<256x256xf32>
    %mul3A_378 = arith.mulf %mul3A_377, %mul3A_264 : vector<256x256xf32>
    %get3A_379 = arith.constant 7 : index
    %get3A_380 = arith.constant 0 : index
    %get3A_381 = arith.constant 0 : index
    %get3A_382 = vector.load %arg1[%get3A_379, %get3A_380, %get3A_381] : memref<11x256x256xf32, #tpu.memory_space<vmem>>, vector<1x256x256xf32>
    %get3A_383 = vector.shape_cast %get3A_382 : vector<1x256x256xf32> to vector<256x256xf32>
    %dot_general3A_384 = arith.constant dense<0.000000e+00> : vector<256x256xf32>
    %dot_general3A_385 = tpu.matmul %mul3A_378, %get3A_383, %dot_general3A_384 {dimension_numbers = #tpu.dot_dimension_numbers<[1], [0], [0], [1], [0, 0, 1, 1], [], []>, transpose_lhs_hint = false} : vector<256x256xf32>, vector<256x256xf32>, vector<256x256xf32> -> vector<256x256xf32>
    %add3A_386 = arith.addf %add3A_371, %dot_general3A_385 : vector<256x256xf32>
    %eq3A_387 = arith.constant 8 : i32
    %eq3A_388 = vector.broadcast %eq3A_387 : i32 to vector<256x1xi32>
    %eq3A_389 = arith.cmpi eq, %get3A_7, %eq3A_388 : vector<256x1xi32>
    %convert_element_type3A_390 = arith.extui %eq3A_389 : vector<256x1xi1> to vector<256x1xi32>
    %convert_element_type3A_391 = arith.sitofp %convert_element_type3A_390 : vector<256x1xi32> to vector<256x1xf32>
    %mul3A_392 = vector.broadcast %convert_element_type3A_391 : vector<256x1xf32> to vector<256x256xf32>
    %mul3A_393 = arith.mulf %mul3A_392, %mul3A_264 : vector<256x256xf32>
    %get3A_394 = arith.constant 8 : index
    %get3A_395 = arith.constant 0 : index
    %get3A_396 = arith.constant 0 : index
    %get3A_397 = vector.load %arg1[%get3A_394, %get3A_395, %get3A_396] : memref<11x256x256xf32, #tpu.memory_space<vmem>>, vector<1x256x256xf32>
    %get3A_398 = vector.shape_cast %get3A_397 : vector<1x256x256xf32> to vector<256x256xf32>
    %dot_general3A_399 = arith.constant dense<0.000000e+00> : vector<256x256xf32>
    %dot_general3A_400 = tpu.matmul %mul3A_393, %get3A_398, %dot_general3A_399 {dimension_numbers = #tpu.dot_dimension_numbers<[1], [0], [0], [1], [0, 0, 1, 1], [], []>, transpose_lhs_hint = false} : vector<256x256xf32>, vector<256x256xf32>, vector<256x256xf32> -> vector<256x256xf32>
    %add3A_401 = arith.addf %add3A_386, %dot_general3A_400 : vector<256x256xf32>
    %eq3A_402 = arith.constant 9 : i32
    %eq3A_403 = vector.broadcast %eq3A_402 : i32 to vector<256x1xi32>
    %eq3A_404 = arith.cmpi eq, %get3A_7, %eq3A_403 : vector<256x1xi32>
    %convert_element_type3A_405 = arith.extui %eq3A_404 : vector<256x1xi1> to vector<256x1xi32>
    %convert_element_type3A_406 = arith.sitofp %convert_element_type3A_405 : vector<256x1xi32> to vector<256x1xf32>
    %mul3A_407 = vector.broadcast %convert_element_type3A_406 : vector<256x1xf32> to vector<256x256xf32>
    %mul3A_408 = arith.mulf %mul3A_407, %mul3A_264 : vector<256x256xf32>
    %get3A_409 = arith.constant 9 : index
    %get3A_410 = arith.constant 0 : index
    %get3A_411 = arith.constant 0 : index
    %get3A_412 = vector.load %arg1[%get3A_409, %get3A_410, %get3A_411] : memref<11x256x256xf32, #tpu.memory_space<vmem>>, vector<1x256x256xf32>
    %get3A_413 = vector.shape_cast %get3A_412 : vector<1x256x256xf32> to vector<256x256xf32>
    %dot_general3A_414 = arith.constant dense<0.000000e+00> : vector<256x256xf32>
    %dot_general3A_415 = tpu.matmul %mul3A_408, %get3A_413, %dot_general3A_414 {dimension_numbers = #tpu.dot_dimension_numbers<[1], [0], [0], [1], [0, 0, 1, 1], [], []>, transpose_lhs_hint = false} : vector<256x256xf32>, vector<256x256xf32>, vector<256x256xf32> -> vector<256x256xf32>
    %add3A_416 = arith.addf %add3A_401, %dot_general3A_415 : vector<256x256xf32>
    %eq3A_417 = arith.constant 10 : i32
    %eq3A_418 = vector.broadcast %eq3A_417 : i32 to vector<256x1xi32>
    %eq3A_419 = arith.cmpi eq, %get3A_7, %eq3A_418 : vector<256x1xi32>
    %convert_element_type3A_420 = arith.extui %eq3A_419 : vector<256x1xi1> to vector<256x1xi32>
    %convert_element_type3A_421 = arith.sitofp %convert_element_type3A_420 : vector<256x1xi32> to vector<256x1xf32>
    %mul3A_422 = vector.broadcast %convert_element_type3A_421 : vector<256x1xf32> to vector<256x256xf32>
    %mul3A_423 = arith.mulf %mul3A_422, %mul3A_264 : vector<256x256xf32>
    %get3A_424 = arith.constant 10 : index
    %get3A_425 = arith.constant 0 : index
    %get3A_426 = arith.constant 0 : index
    %get3A_427 = vector.load %arg1[%get3A_424, %get3A_425, %get3A_426] : memref<11x256x256xf32, #tpu.memory_space<vmem>>, vector<1x256x256xf32>
    %get3A_428 = vector.shape_cast %get3A_427 : vector<1x256x256xf32> to vector<256x256xf32>
    %dot_general3A_429 = arith.constant dense<0.000000e+00> : vector<256x256xf32>
    %dot_general3A_430 = tpu.matmul %mul3A_423, %get3A_428, %dot_general3A_429 {dimension_numbers = #tpu.dot_dimension_numbers<[1], [0], [0], [1], [0, 0, 1, 1], [], []>, transpose_lhs_hint = false} : vector<256x256xf32>, vector<256x256xf32>, vector<256x256xf32> -> vector<256x256xf32>
    %add3A_431 = arith.addf %add3A_416, %dot_general3A_430 : vector<256x256xf32>
    %swap3A = arith.constant 0 : index
    %swap3A_432 = arith.constant 0 : index
    %swap3A_433 = vector.load %arg4[%swap3A, %swap3A_432] : memref<256x256xf32, #tpu.memory_space<vmem>>, vector<256x256xf32>
    tpu.vector_store %arg4[%swap3A, %swap3A_432], %add3A_431 {strides = array<i32>} : memref<256x256xf32, #tpu.memory_space<vmem>>, vector<256x256xf32>,
    return
  }
}

</mosaic_0001>

<sc_bundles>
// kernel: kernel.4.cloned.1.call-start
scs
__scs_entry_jumppad:
0x0: {  	(pc) =	sbr.rel $0x88, $3  }
0x1: {  	(tag) =	ssettag $0x0;
	lr =	simm.s32 $0x1  }
0x2: {  	[smem:$0x3F9B] =	sst lr;
	_ =	strace $0xD0000000  }
0x3: {  	_ = 	snop  }
0x4: {  	_ = 	snop  }
0x5: {  	_ = 	snop  }
0x6: {  	_ = 	snop  }
0x7: {  	_ = 	snop  }
__scs_overlays_trampoline_lowered:
0x8: {  	[smem:$0x3FAA] =	sst s0  }
0x9: {  	[smem:$0x3FAB] =	sst s1  }
0xa: {  	[smem:$0x3FAC] =	sst s2  }
0xb: {  	[smem:$0x3FAD] =	sst s3  }
0xc: {  	[smem:$0x3FAE] =	sst s4  }
0xd: {  	[smem:$0x3FAF] =	sst s5  }
0xe: {  	[smem:$0x3FB0] =	sst s6  }
0xf: {  	[smem:$0x3FB1] =	sst s7  }
0x10: {  	[smem:$0x3FB2] =	sst s8  }
0x11: {  	[smem:$0x3FB3] =	sst s9;
	s0 =	simm.s32 @!p0 $0x0  }
0x12: {  	s1 =	sld [smem:$0x3F99];
	s0 =	simm.s32 @p0 $0x1  }
0x13: {  	[smem:$0x3FB4] =	sst s0;
	s0 =	simm.s32 @!p1 $0x0  }
0x14: {  	s2 =	sld [smem:$0x3F98];
	s0 =	simm.s32 @p1 $0x1  }
0x15: {  	[smem:$0x3FB5] =	sst s0;
	s0 =	simm.s32 @!p2 $0x0  }
0x16: {  	s3 =	sld [smem:$0x3FDB];
	s0 =	simm.s32 @p2 $0x1  }
0x17: {  	s4 =	simm.s32 $0x1BF5;
	[smem:$0x3FB7] =	sst s0  }
0x18: {  	s0 =	sld [smem:$0x3F9A];
	_ =	swait.ge [sflag:s4], $0x0  }
0x19: {  	s7 =	sld [smem:$0x3F9B]  }
0x1a: {  	s8 =	sadd.s32 $0xFFFFE003, lr  }
0x1b: {  	s9 =	sadd.s32 $0xFFFFFEF7, lr;
	s5 =	simm.s32 $0xFFFFFFFF;
	p2 =	slt.u32 s8, $0xFFFFF086  }
0x1c: {  	p1 =	slt.u32 s9, $0xF7A;
	s5 =	simm.s32 @!p2 $0x0  }
0x1d: {  	s5 =	simm.s32 @p1 $0x1;
	p0 =	seq.s32 s7, s2  }
0x1e: {  	s7 =	smul.u32 @!p0 $0xF7A, s2;
	p2 =	seq.s32 @!p0 s5, $0x0  }
0x1f: {  	s9 =	smul.u32 $0xF7A, s1;
	s8 =	simm.s32 @!p0 $0x1BF5;
	p2 =	por !p2, p0  }
0x20: {  	[sflag:s8] =	ssyncset.s32 @!p0 $0xFFFFF086;
	s6 =	sadd.s32 @!p0 s3, s7;
	s7 =	simm.s32 @!p0 $0x108  }
0x21: {  	s3 =	sadd.s32 s3, s9;
	s6 =	sadd.s32 @!p0 $0x88, s6;
	s7 =	simm.s32 @p2 $0x1082  }
0x22: {  	[simem:s7], [sflag:s8] =	dma.local @!p0 [hbm:s6], $0xF7A  }
0x23: {  	s9 =	sor.u32 $0xD0000000, s2;
	s6 =	simm.s32 $0x108;
	_ =	swait.ge @!p0 [sflag:s8], $0x0  }
0x24: {  	s3 =	sadd.s32 $0x88, s3;
	s6 =	simm.s32 @!p1 $0x1082;
	[sflag:s4] =	ssyncset.s32 $0xFFFFF086  }
0x25: {  	[simem:s6], [sflag:s4] =	dma.local [hbm:s3], $0xF7A  }
0x26: {  	[smem:$0x3F9B] =	sst s1;
	(tag) =	ssettag s2;
	_ =	strace s9  }
0x27: {  	s1 =	sld [smem:$0x3FAB]  }
0x28: {  	s2 =	sld [smem:$0x3FAC]  }
0x29: {  	s4 =	sld [smem:$0x3FAE]  }
0x2a: {  	p0 =	seq.s32 s5, $0x0;
	s5 =	sld [smem:$0x3FAF]  }
0x2b: {  	s6 =	sld [smem:$0x3FB0]  }
0x2c: {  	s7 =	sld [smem:$0x3FB1]  }
0x2d: {  	s3 =	simm.s32 $0x108;
	s8 =	sld [smem:$0x3FB2]  }
0x2e: {  	s3 =	simm.s32 @!p0 $0x1082;
	s9 =	sld [smem:$0x3FB3]  }
0x2f: {  	lr =	sadd.s32 s0, s3;
	s0 =	sld [smem:$0x3FAA]  }
0x30: {  	s3 =	sld [smem:$0x3FAD]  }
0x31: {  	[smem:$0x3FB6] =	sst s10  }
0x32: {  	s10 =	sld [smem:$0x3FB4];
	_ =	sdelay $0x3  }
0x33: {  	p0 =	seq.s32 s10, $0x1;
	s10 =	sld [smem:$0x3FB6];
	_ =	sdelay $0x3  }
0x34: {  	[smem:$0x3FB6] =	sst s10  }
0x35: {  	s10 =	sld [smem:$0x3FB5];
	_ =	sdelay $0x3  }
0x36: {  	p1 =	seq.s32 s10, $0x1;
	s10 =	sld [smem:$0x3FB6];
	_ =	sdelay $0x3  }
0x37: {  	[smem:$0x3FB6] =	sst s10  }
0x38: {  	s10 =	sld [smem:$0x3FB7]  }
0x39: {  	_ = 	snop;
	(pc) =	sbr.ind lr, $3  }
0x3a: {  	_ = 	snop  }
0x3b: {  	_ = 	snop  }
0x3c: {  	p2 =	seq.s32 s10, $0x1;
	s10 =	sld [smem:$0x3FB6]  }
0x3d: {  	_ =	shalt  }
0x3e: {  	_ =	shalt  }
0x3f: {  	_ =	shalt  }
0x40: {  	_ =	shalt  }
0x41: {  	_ =	shalt  }
0x42: {  	_ =	shalt  }
0x43: {  	_ =	shalt  }
0x44: {  	_ =	shalt  }
0x45: {  	_ =	shalt  }
0x46: {  	_ =	shalt  }
0x47: {  	_ =	shalt  }
0x48: {  	_ =	shalt  }
0x49: {  	_ =	shalt  }
0x4a: {  	_ =	shalt  }
0x4b: {  	_ =	shalt  }
0x4c: {  	_ =	shalt  }
0x4d: {  	_ =	shalt  }
0x4e: {  	_ =	shalt  }
0x4f: {  	_ =	shalt  }
0x50: {  	_ =	shalt  }
0x51: {  	_ =	shalt  }
0x52: {  	_ =	shalt  }
0x53: {  	_ =	shalt  }
0x54: {  	_ =	shalt  }
0x55: {  	_ =	shalt  }
0x56: {  	_ =	shalt  }
0x57: {  	_ =	shalt  }
0x58: {  	_ =	shalt  }
0x59: {  	_ =	shalt  }
0x5a: {  	_ =	shalt  }
0x5b: {  	_ =	shalt  }
0x5c: {  	_ =	shalt  }
0x5d: {  	_ =	shalt  }
0x5e: {  	_ =	shalt  }
0x5f: {  	_ =	shalt  }
0x60: {  	_ =	shalt  }
0x61: {  	_ =	shalt  }
0x62: {  	_ =	shalt  }
0x63: {  	_ =	shalt  }
0x64: {  	_ =	shalt  }
0x65: {  	_ =	shalt  }
0x66: {  	_ =	shalt  }
0x67: {  	_ =	shalt  }
0x68: {  	_ =	shalt  }
0x69: {  	_ =	shalt  }
0x6a: {  	_ =	shalt  }
0x6b: {  	_ =	shalt  }
0x6c: {  	_ =	shalt  }
0x6d: {  	_ =	shalt  }
0x6e: {  	_ =	shalt  }
0x6f: {  	_ =	shalt  }
0x70: {  	_ =	shalt  }
0x71: {  	_ =	shalt  }
0x72: {  	_ =	shalt  }
0x73: {  	_ =	shalt  }
0x74: {  	_ =	shalt  }
0x75: {  	_ =	shalt  }
0x76: {  	_ =	shalt  }
0x77: {  	_ =	shalt  }
0x78: {  	_ =	shalt  }
0x79: {  	_ =	shalt  }
0x7a: {  	_ =	shalt  }
0x7b: {  	_ =	shalt  }
0x7c: {  	_ =	shalt  }
0x7d: {  	_ =	shalt  }
0x7e: {  	_ =	shalt  }
0x7f: {  	_ =	shalt  }
0x80: {  	_ =	shalt  }
0x81: {  	_ =	shalt  }
0x82: {  	_ =	shalt  }
0x83: {  	_ =	shalt  }
0x84: {  	_ =	shalt  }
0x85: {  	_ =	shalt  }
0x86: {  	_ =	shalt  }
0x87: {  	_ =	shalt  }
.Lfunc_end0:
.L_simem_size_0:
called_computation_lowered:
.L_overlay_start_0:
0x88: {  	s2 =	sld [smem:$0x3FD9]  }
0x89: {  	s3 =	sld [smem:$0x3FFE];
	_ =	sdelay $0x1  }
0x8a: {  	s1 =	srdreg.scid  }
0x8b: {  	s0 =	sand.u32 $0x1, s1  }
0x8c: {  	s17 =	sshll.u32 s0, $0xA;
	s2 =	sadd.s32 s3, s2  }
0x8d: {  	s2 =	sadd.s32 s2, s17  }
0x8e: {  	[smem:$0x3FC2] =	sst s2  }
0x8f: {  	_ = 	snop  }
0x90: {  	s2 =	sld [smem:$0x3FC9]  }
0x91: {  	s18 =	sld [smem:$0x3FD0];
	(tm) =	ssettm $0x1  }
0x92: {  	s4 =	sld [smem:$0x3FFB];
	_ =	sdelay $0x3  }
0x93: {  	_ =	strace s4  }
0x94: {  	s4 =	sld [smem:$0x3FFC];
	_ =	sdelay $0x3  }
0x95: {  	_ =	strace s4  }
0x96: {  	s4 =	sld [smem:$0x3FFD];
	_ =	sdelay $0x3  }
0x97: {  	_ =	strace s4  }
0x98: {  	_ =	strace $0x8FFFFFFF  }
0x99: {  	s19 =	sld [smem:$0x3FDB];
	_ =	sdelay $0x1  }
0x9a: {  	s5 =	simm.s32 $_scs_section_size  }
0x9b: {  	s6 =	simm.s32 $_size__tile_overlayer_lowered;
	s7 =	simm.s32 $_tile_overlayer_lowered  }
0x9c: {  	s22 =	simm.s32 $0x1BFF;
	s21 =	sshll.u32 s7, $0x1;
	s4 =	sadd.s32 s5, s19  }
0x9d: {  	s8 =	simm.s32 $0x0;
	s20 =	sshll.u32 s6, $0x1;
	s6 =	sadd.s32 s21, s4  }
0x9e: {  	[timem:s8], [sflag:s22] =	dma.local [hbm:s6], s20  }
0x9f: {  	_ =	swait.ge [sflag:s22], s20  }
0xa0: {  	s5 =	ssub.s32 $0x0, s20;
	[sflag:s22] =	ssyncset.done $0x0  }
0xa1: {  	[sflag:s22] =	ssyncadd.s32 s5;
	_ =	sdelay $0x1  }
0xa2: {  	s23 =	simm.s32 $0x1B8B  }
0xa3: {  	_ =	swait.ge [sflag:s23], $0x1  }
0xa4: {  	[sflag:s23] =	ssyncset.done $0x0  }
0xa5: {  	s25 =	simm.s32 $0x1B8E;
	s24 =	sld [smem:$0x3FFE];
	[sflag:s23] =	ssyncadd.s32 $0xFFFFFFFF  }
0xa6: {  	s26 =	simm.s32 $execute0_lowered;
	[smem:$0x3FD2] =	sst s25  }
0xa7: {  	s6 =	sshll.u32 s26, $0x1;
	_ =	strace $0x80000046;
	[dreg:$0x1] =	wrdreg $0xFFFFFFFF  }
0xa8: {  	s28 =	simm.s32 $_size_execute0_lowered;
	s4 =	sadd.s32 s4, s6;
	[dreg:$0x0] =	wrdreg $0x0  }
0xa9: {  	s6 =	sshll.u32 s28, $0x1;
	[dreg:$0x2] =	wrdreg s4  }
0xaa: {  	[dreg:$0x3] =	wrdreg s6  }
0xab: {  	[dreg:$0x4] =	wrdreg $0xC0  }
0xac: {  	_ =	task [dreg:s8], $0x5FFFF  }
0xad: {  	[dreg:$0x1] =	wrdreg $0xFFFFFFFF  }
0xae: {  	[dreg:$0x0] =	wrdreg $0x60  }
0xaf: {  	[dreg:$0x2] =	wrdreg s2  }
0xb0: {  	[dreg:$0x3] =	wrdreg s18  }
0xb1: {  	[dreg:$0x4] =	wrdreg s24  }
0xb2: {  	[dreg:$0x5] =	wrdreg $0x9  }
0xb3: {  	_ =	task.clear_ibuf [dreg:s8], $0x6FFFF;
	_ =	strace $0x90000046  }
0xb4: {  	s29 =	simm.s32 $0x9;
	_ =	strace $0x80000048  }
0xb5: {  	_ =	swait.ge [sflag:s29], $0x1  }
0xb6: {  	[sflag:s29] =	ssyncadd.s32 $0xFFFFFFFF  }
0xb7: {  	_ =	strace $0x90000048  }
0xb8: {  	_ =	sfence  }
0xb9: {  	s30 =	sld [smem:$0x0];
	_ =	sdelay $0x2  }
0xba: {  	s31 =	sshll.u32 s1, $0xD;
	s1 =	sshrl.u32 s1, $0x2  }
0xbb: {  	s3 =	sand.u32 $0x4000, s31;
	s1 =	sadd.s32 s1, s30  }
0xbc: {  	s0 =	sor.u32 s3, s0;
	s1 =	sshll.u32 s1, $0x11  }
0xbd: {  	s0 =	sor.u32 s1, s0  }
0xbe: {  	s0 =	sadd.s32 $0x8F2B, s0  }
0xbf: {  	[sflag:s0] =	ssyncadd.remote.s32 $0x1  }
0xc0: {  	_ =	sfence.sel $0xFFFF  }
0xc1: {  	[dreg:$0x0] =	wrdreg $0xFFFFFFFF;
	(pc) =	sbr.abs _section_cstart, $3  }
0xc2: {  	[dreg:$0x1] =	wrdreg $0xFFFFFFFF  }
0xc3: {  	_ =	task.clear_ibuf [dreg:s8], $0x2FFFF;
	_ =	strace $0x9FFFFFFF  }
0xc4: {  	(tm) =	ssettm $0x7FFFFFFF  }
0xc5: {  	_ =	shalt  }
tec
execute0_lowered:
.L_overlay_start_1:
0x0: {  	(tag) =	ssettag $0x1  }
0x1: {  	s1 =	rddreg [dreg:$0x0];
	s2 =	srdreg.scid  }
0x2: {  	s4 =	rddreg [dreg:$0x1];
	s0 =	stileid.u32;
	s7 =	sand.u32 $0x1, s2  }
0x3: {  	s9 =	rddreg [dreg:$0x2];
	s5 =	sshll.u32 s0, $0x5;
	s6 =	sshll.u32 s7, $0x4  }
0x4: {  	s3 =	simm.s32 $0x0;
	s2 =	rddreg [dreg:$0x3];
	s10 =	sor.u32 s6, s5  }
0x5: {  	[smem:$0x7FF] =	sst s3;
	s5 =	sshrl.u32 s10, $0x3  }
0x6: {  	_ =	strace $0x80000047;
	s5 =	sadd.s32 s4, s5;
	s4 =	simm.s32 $0x2  }
0x7: {  	[tilespmem:s3], [sflag:$0x2] =	stream.linear.gather [hbm4b:s5+s3], $0x10, $0x38;
	[tilespmem:$0x1080] =	vst v63  }
0x8: {  	_ =	swait.ge [sflag:s4], $0x10  }
0x9: {  	[sflag:s4] =	ssyncset.done $0x0  }
0xa: {  	[sflag:s4] =	ssyncadd.s32 $0xFFFFFFF0  }
0xb: {  	v0 =	vld [tilespmem:$0x0];
	_ =	sdelay $0x4  }
0xc: {  	v1 =	vshll.u32 v0, $0x1  }
0xd: {  	v2 =	vlaneseq.u32;
	v3 =	vand.u32 $0x7, v0;
	v1 =	vand.u32 $0xFFFFFFF0, v1  }
0xe: {  	v4 =	vshrl.u32 v2, $0x3;
	v0 =	vand.u32 $0x7, v2;
	v3 =	vor.u32 v3, v1  }
0xf: {  	v1 =	vmul.u32 $0x8, v4;
	v63 =	vperm.xlane v3, v0  }
0x10: {  	v2 =	vor.u32 $0x8, v2  }
0x11: {  	v3 =	vperm.xlane v3, v2;
	v4 =	vadd.s32 v1, v63;
	_ =	sdelay $0x1  }
0x12: {  	s11 =	ssub.s32 $0x2, s7;
	v3 =	vadd.s32 v1, v3  }
0x13: {  	s8 =	simm.s32 $0x1;
	s12 =	sshrl.u32 s11, $0x1  }
0x14: {  	vm0 =	vmmov $0xffff;
	s6 =	simm.s32 $0x80;
	s10 =	sshll.u32 s10, $0x5;
	s31 =	ssub.s32 s11, s12  }
0x15: {  	[tilespmem:s6], [sflag:$0x1] =	stream.indirect_vreg.gather [hbm4b:s1+s3], $0x80, v4, vm0, $0xb8;
	[tilespmem:$0x1080] =	vst v63  }
0x16: {  	s7 =	simm.s32 $0x880;
	s9 =	sadd.s32 s10, s9;
	s10 =	smax.u32 s31, $0x1  }
0x17: {  	[tilespmem:s7], [sflag:$0x1] =	stream.indirect_vreg.gather [hbm4b:s1+s3], $0x80, v3, vm0, $0xb8;
	[tilespmem:$0x1080] =	vst v63  }
0x18: {  	p0 =	sne.s32 s10, $0x1;
	_ =	swait.ge [sflag:s8], $0x1000  }
.Ltmp0:
0x19: {  	[sflag:s8] =	ssyncset.done $0x0;
	(pc) =	sbr.rel @!p0 .LBB2_2-.Ltmp0, $4  }
0x1a: {  	s9 =	sadd.s32 $0xE00, s9;
	[sflag:s8] =	ssyncadd.s32 $0xFFFFF000  }
0x1b: {  	[hbm4b:s9+s3] =	stream.linear.scatter [tilespmem:s6], [sflag:$0x2], $0x1000, $0x38;
	[tilespmem:$0x1080] =	vst v63  }
0x1c: {  	_ =	swait.ge [sflag:s4], $0x1000  }
0x1d: {  	s10 =	sadd.s32 $0xFFFFFFFF, s10;
	[sflag:s4] =	ssyncset.done $0x0  }
.LBB2_1:
0x1e: {  	p0 =	sne.s32 s10, $0x1;
	s10 =	sadd.s32 $0xFFFFFFFF, s10;
	[sflag:s4] =	ssyncadd.s32 $0xFFFFF000  }
0x1f: {  	[tilespmem:s3], [sflag:$0x2] =	stream.linear.gather [hbm4b:s5+s3], $0x10, $0x38;
	[tilespmem:$0x1080] =	vst v63  }
0x20: {  	_ =	swait.ge [sflag:s4], $0x10  }
0x21: {  	[sflag:s4] =	ssyncset.done $0x0  }
0x22: {  	[sflag:s4] =	ssyncadd.s32 $0xFFFFFFF0  }
0x23: {  	v3 =	vld [tilespmem:$0x0];
	_ =	sdelay $0x4  }
0x24: {  	v4 =	vshll.u32 v3, $0x1  }
0x25: {  	v3 =	vand.u32 $0x7, v3;
	v4 =	vand.u32 $0xFFFFFFF0, v4  }
0x26: {  	v3 =	vor.u32 v3, v4  }
0x27: {  	v4 =	vperm.xlane v3, v0;
	v3 =	vperm.xlane v3, v2;
	_ =	sdelay $0x1  }
0x28: {  	v4 =	vadd.s32 v1, v4;
	_ =	sdelay $0x1  }
0x29: {  	v3 =	vadd.s32 v1, v3;
	_ =	sdelay $0x2  }
0x2a: {  	[tilespmem:s6], [sflag:$0x1] =	stream.indirect_vreg.gather [hbm4b:s1+s3], $0x80, v4, vm0, $0xb8;
	[tilespmem:$0x1080] =	vst v63  }
0x2b: {  	_ = 	snop  }
0x2c: {  	[tilespmem:s7], [sflag:$0x1] =	stream.indirect_vreg.gather [hbm4b:s1+s3], $0x80, v3, vm0, $0xb8;
	[tilespmem:$0x1080] =	vst v63  }
0x2d: {  	_ =	swait.ge [sflag:s8], $0x1000  }
.Ltmp1:
0x2e: {  	[sflag:s8] =	ssyncset.done $0x0;
	(pc) =	sbr.rel @p0 .LBB2_1-.Ltmp1, $4  }
0x2f: {  	[sflag:s8] =	ssyncadd.s32 $0xFFFFF000  }
0x30: {  	[hbm4b:s9+s3] =	stream.linear.scatter [tilespmem:s6], [sflag:$0x2], $0x1000, $0x38;
	[tilespmem:$0x1080] =	vst v63  }
0x31: {  	_ =	swait.ge [sflag:s4], $0x1000  }
0x32: {  	[sflag:s4] =	ssyncset.done $0x0  }
.LBB2_2:
0x33: {  	[sflag:s4] =	ssyncadd.s32 $0xFFFFF000  }
0x34: {  	_ =	sfence.sel $0x180000  }
0x35: {  	[bflag:$0x0] =	sbarrier.arrive $0xFFFF  }
0x36: {  	p0 =	sne.s32 s0, $0x0;
	_ =	strace $0x90000047  }
0x37: {  	s0 =	sadd.s32 @!p0 $0x100000, s2;
	[bflag:$0x2] =	sbarrier.arrive $0xFFFF  }
0x38: {  	[sflag:s0] =	ssyncadd.tile.s32 @!p0 $0x1;
	_ =	shalt  }
.Lfunc_end2:
_tile_overlayer_lowered:
.L_overlay_start_2:
0x39: {  	(tag) =	ssettag $0x2  }
0x3a: {  	s0 =	rddreg [dreg:$0x0];
	s2 =	stileid.u32  }
0x3b: {  	s1 =	rddreg [dreg:$0x1];
	p0 =	sne.s32 s2, $0x0  }
0x3c: {  	s3 =	rddreg [dreg:$0x2];
	[bflag:$0x3] =	sbarrier.arrive $0xFFFF;
	s2 =	simm.s32 @!p0 $0x1C02  }
0x3d: {  	[timem:s3], [sflag:s2] =	dma.local @!p0 [hbm:s0], s1  }
0x3e: {  	s0 =	simm.s32 @!p0 $0x2  }
0x3f: {  	_ =	swait.ge @!p0 [sflag:s0], s1  }
0x40: {  	s1 =	ssub.s32 @!p0 $0x0, s1;
	[sflag:s0] =	ssyncset.done @!p0 $0x0  }
0x41: {  	[sflag:s0] =	ssyncadd.s32 @!p0 s1  }
0x42: {  	[bflag:$0x3] =	sbarrier.arrive $0xFFFF  }
0x43: {  	_ =	shalt  }

</sc_bundles>
